<compile_context>
chip_gen: v7x
topology: tpu7x:2x2x1
jax: 0.10.2.dev20260603
libtpu: 0.0.44.dev20260713+nightly
codegen_flags: <defaults>
</compile_context>

<pallas_src>
import functools

import jax
import jax.numpy as jnp
from jax import lax
from jax.experimental import pallas as pl
from jax.experimental.pallas import tpu as pltpu
from jax.experimental.pallas import tpu_sc as plsc

_K = 20
_TQ = 256
_TQC = 1024
_KPAD = 32
_NW = 32


def _knn_idx_kernel(ptT_ref, pq_ref, idx_ref):
    ptsT = ptT_ref[0]
    q = pq_ref[0]
    n = ptsT.shape[1]
    tq = q.shape[0]
    bi = pl.program_id(0)

    sq_all = jnp.sum(ptsT * ptsT, axis=0, keepdims=True)
    sq_q = jnp.sum(q * q, axis=1, keepdims=True)
    mm = jnp.dot(q, ptsT, preferred_element_type=jnp.float32)
    dist = (sq_q + sq_all) - 2.0 * mm

    iota = lax.broadcasted_iota(jnp.int32, (tq, n), 1)
    col = lax.broadcasted_iota(jnp.int32, (tq, _KPAD), 1)
    out = jnp.zeros((tq, _KPAD), dtype=jnp.int32)
    for k in range(_K):
        j = jnp.argmin(dist, axis=1).astype(jnp.int32)[:, None]
        dist = jnp.where(iota == j, jnp.inf, dist)
        out = jnp.where(col == k, j + bi * n, out)
    idx_ref[0] = out


def _sc_gather_kernel(pts_hbm, idx_hbm, out_hbm, pts_v, idx_v, out_v):
    nidx = idx_v.shape[0]
    wid = lax.axis_index("s") * 2 + lax.axis_index("c")
    base = wid * nidx
    pltpu.sync_copy(pts_hbm, pts_v)
    pltpu.sync_copy(idx_hbm.at[pl.ds(base, nidx)], idx_v)
    lane = lax.broadcasted_iota(jnp.int32, (16,), 0)

    def body(i, carry):
        idx16 = idx_v[pl.ds(i * 16, 16)]
        src = idx16 * 3
        dst = lane * 3 + i * 48
        for c in range(3):
            v = plsc.load_gather(pts_v, [src + c])
            plsc.store_scatter(out_v, [dst + c], v)
        return carry

    lax.fori_loop(0, nidx // 16, body, 0)
    pltpu.sync_copy(out_v, out_hbm.at[pl.ds(base * 3, nidx * 3)])


def _mlp_kernel(feat_ref, pq_ref, W1_ref, b1_ref, W2_ref, b2_ref, out_ref):
    featK = feat_ref[...]
    q = pq_ref[0]
    tq, c = q.shape
    f1 = W1_ref.shape[1]
    f2 = W2_ref.shape[1]

    cterm = (jnp.dot(q, W1_ref[c:, :], preferred_element_type=jnp.float32)
             + b1_ref[0:1, :])
    qrep = jnp.broadcast_to(q[:, None, :], (tq, _K, c)).reshape(tq * _K, c)
    crep = jnp.broadcast_to(cterm[:, None, :], (tq, _K, f1)).reshape(tq * _K, f1)

    rel = featK - qrep
    h1 = jax.nn.relu(
        jnp.dot(rel, W1_ref[:c, :], preferred_element_type=jnp.float32) + crep)
    h2 = jax.nn.relu(
        jnp.dot(h1, W2_ref[...], preferred_element_type=jnp.float32)
        + b2_ref[0:1, :])
    out_ref[0] = jnp.max(h2.reshape(tq, _K, f2), axis=1)


_BC = 8


def _run_chunk(points, ptT, W1, b1r, W2, b2r):
    b, n, c = points.shape
    f1 = W1.shape[1]
    f2 = W2.shape[1]

    idxpad = pl.pallas_call(
        _knn_idx_kernel,
        grid=(b, n // _TQ),
        in_specs=[
            pl.BlockSpec((1, c, n), lambda bi, ti: (bi, 0, 0)),
            pl.BlockSpec((1, _TQ, c), lambda bi, ti: (bi, ti, 0)),
        ],
        out_specs=pl.BlockSpec((1, _TQ, _KPAD), lambda bi, ti: (bi, ti, 0)),
        out_shape=jax.ShapeDtypeStruct((b, n, _KPAD), jnp.int32),
        compiler_params=pltpu.CompilerParams(
            dimension_semantics=("parallel", "parallel")),
    )(ptT, points)

    idxf = idxpad[:, :, :_K].reshape(b * n * _K)
    ptsf = points.reshape(b * n * c)

    nidx = (b * n * _K) // _NW
    mesh = plsc.VectorSubcoreMesh(core_axis_name="c", subcore_axis_name="s")
    sc_gather = functools.partial(
        pl.kernel, mesh=mesh,
        out_type=jax.ShapeDtypeStruct((b * n * _K * c,), jnp.float32),
        scratch_types=[
            pltpu.VMEM((b * n * c,), jnp.float32),
            pltpu.VMEM((nidx,), jnp.int32),
            pltpu.VMEM((nidx * c,), jnp.float32),
        ],
        compiler_params=pltpu.CompilerParams(needs_layout_passes=False),
    )(_sc_gather_kernel)
    featf = sc_gather(ptsf, idxf)
    feat = featf.reshape(b * n * _K, c)

    out = pl.pallas_call(
        _mlp_kernel,
        grid=(b, n // _TQC),
        in_specs=[
            pl.BlockSpec((_TQC * _K, c),
                         lambda bi, ti, nb=n // _TQC: (bi * nb + ti, 0)),
            pl.BlockSpec((1, _TQC, c), lambda bi, ti: (bi, ti, 0)),
            pl.BlockSpec((2 * c, f1), lambda bi, ti: (0, 0)),
            pl.BlockSpec((1, f1), lambda bi, ti: (0, 0)),
            pl.BlockSpec((f1, f2), lambda bi, ti: (0, 0)),
            pl.BlockSpec((1, f2), lambda bi, ti: (0, 0)),
        ],
        out_specs=pl.BlockSpec((1, _TQC, f2), lambda bi, ti: (bi, ti, 0)),
        out_shape=jax.ShapeDtypeStruct((b, n, f2), jnp.float32),
        compiler_params=pltpu.CompilerParams(
            dimension_semantics=("parallel", "parallel")),
    )(feat, points, W1, b1r, W2, b2r)
    return out


def kernel(points, W1, b1, W2, b2):
    b, n, c = points.shape
    f1 = W1.shape[1]
    f2 = W2.shape[1]
    ptT = jnp.transpose(points, (0, 2, 1))
    b1r = b1.reshape(1, f1)
    b2r = b2.reshape(1, f2)

    outs = []
    for s in range(0, b, _BC):
        outs.append(_run_chunk(points[s:s + _BC], ptT[s:s + _BC],
                               W1, b1r, W2, b2r))
    return jnp.concatenate(outs, axis=0)

# --- scband reference (transcript-rebuilt; emitter-appended) ---
"""Pipeline reference for scband-base-dgcnngfmodule-19052474925313 (READ-ONLY COPY).

The authoritative reference and input builder live on the scoring server;
editing this copy changes nothing except your own understanding.
"""

import jax, jax.numpy as jnp
import numpy as np

B, N, C, K = 8, 2048, 3, 20

def setup_inputs(seed: int = 0) -> dict:
    key = jax.random.key(seed)
    k1, k2, k3 = jax.random.split(key, 3)
    points = jax.random.normal(k1, (B, N, C), dtype=jnp.float32)
    # 1x1 conv weights for the shared MLP [6 -> 64 -> 64] (as in DGCNNGFModule subclass)
    W1 = jax.random.normal(k2, (2 * C, 64), dtype=jnp.float32) * 0.1
    b1 = jnp.zeros((64,), dtype=jnp.float32)
    W2 = jax.random.normal(k3, (64, 64), dtype=jnp.float32) * 0.1
    b2 = jnp.zeros((64,), dtype=jnp.float32)
    return {"points": points, "W1": W1, "b1": b1, "W2": W2, "b2": b2}

def _knn_idx(points, k):
    # F-KNN: nearest neighbors in full feature space (here C=3 xyz features)
    sq = jnp.sum(points * points, axis=-1)                     # (B, N)
    dist = sq[:, :, None] + sq[:, None, :] - 2.0 * jnp.einsum('bnc,bmc->bnm', points, points)  # (B, N, N)
    _, idx = jax.lax.top_k(-dist, k)                           # (B, N, K) int32
    return idx

def reference(points, W1, b1, W2, b2):
    idx = _knn_idx(points, K)
    # grouping_operation: gather neighbor features -> (B, N, K, C)
    gathered = jax.vmap(lambda p, i: p[i])(points, idx)
    # QueryAndGroup (knn mode, use_xyz=True, features=None): relative coords
    rel = gathered - points[:, :, None, :]                     # (B, N, K, C)
    # center features repeated K times, then concat along channel dim
    center = jnp.broadcast_to(points[:, :, None, :], rel.shape)
    feat = jnp.concatenate([rel, center], axis=-1)             # (B, N, K, 2C)
    # shared MLP (1x1 Conv2d + ReLU stack, BN folded to identity stats)
    h = jax.nn.relu(feat @ W1 + b1)
    h = jax.nn.relu(h @ W2 + b2)
    # max pool over the K neighbor dim -> (B, N, 64)
    out = jnp.max(h, axis=2)
    return out

if __name__ == "__main__":
    import jax
    _d = setup_inputs()
    print(jax.jit(kernel)(*tuple(_d.values())))

</pallas_src>

<mosaic_0001>
#map = affine_map<(d0, d1) -> (0)>
module attributes {stable_mosaic.version = 14 : i64} {
  func.func @_sc_gather_kernel(%arg0: i32, %arg1: i32, %arg2: memref<49152xf32, #tpu.memory_space<hbm>>, %arg3: memref<327680xi32, #tpu.memory_space<hbm>>, %arg4: memref<983040xf32, #tpu.memory_space<hbm>>, %arg5: memref<49152xf32, #tpu.memory_space<vmem>>, %arg6: memref<10240xi32, #tpu.memory_space<vmem>>, %arg7: memref<30720xf32, #tpu.memory_space<vmem>>) attributes {dimension_semantics = [#tpu.dimension_semantics<core_parallel>, #tpu.dimension_semantics<subcore_parallel>], iteration_bounds = array<i64: 2, 16>, scalar_prefetch = 0 : i64, scratch_operands = 3 : i64, tpu.core_type = #tpu.core_type<sc_vector_subcore>, window_params = [{transform_indices = #map}, {transform_indices = #map}, {transform_indices = #map}]} {
    %mul3A = arith.constant 2 : i32
    %mul3A_0 = arith.muli %arg1, %mul3A : i32
    %add3A = arith.addi %mul3A_0, %arg0 : i32
    %mul3A_1 = arith.constant 10240 : i32
    %mul3A_2 = arith.muli %add3A, %mul3A_1 : i32
    "tpu.region"() ({
      %run_scoped3A = tpu.sem_alloc : memref<!tpu.dma_semaphore, #tpu.memory_space<semaphore_mem>>
      tpu.enqueue_dma source(%arg2 : memref<49152xf32, #tpu.memory_space<hbm>>) target(%arg5 : memref<49152xf32, #tpu.memory_space<vmem>>) target_semaphore(%run_scoped3A : memref<!tpu.dma_semaphore, #tpu.memory_space<semaphore_mem>>)
      tpu.wait_dma2 semaphore(%run_scoped3A : memref<!tpu.dma_semaphore, #tpu.memory_space<semaphore_mem>>) src(%arg2 : memref<49152xf32, #tpu.memory_space<hbm>>) dst(%arg5 : memref<49152xf32, #tpu.memory_space<vmem>>)
      tpu.yield
    }) : () -> ()
    "tpu.region"() ({
      %run_scoped3A = tpu.sem_alloc : memref<!tpu.dma_semaphore, #tpu.memory_space<semaphore_mem>>
      %dma_start3A = tpu.memref_slice %arg3[%mul3A_2] : memref<327680xi32, #tpu.memory_space<hbm>> -> memref<10240xi32, #tpu.memory_space<hbm>>
      %dma_start3A_10 = tpu.memref_slice %arg3[%mul3A_2] : memref<327680xi32, #tpu.memory_space<hbm>> -> memref<10240xi32, #tpu.memory_space<hbm>>
      tpu.enqueue_dma source(%dma_start3A_10 : memref<10240xi32, #tpu.memory_space<hbm>>) target(%arg6 : memref<10240xi32, #tpu.memory_space<vmem>>) target_semaphore(%run_scoped3A : memref<!tpu.dma_semaphore, #tpu.memory_space<semaphore_mem>>)
      %dma_wait3A = tpu.memref_slice %arg3[%mul3A_2] : memref<327680xi32, #tpu.memory_space<hbm>> -> memref<10240xi32, #tpu.memory_space<hbm>>
      %dma_wait3A_11 = tpu.memref_slice %arg3[%mul3A_2] : memref<327680xi32, #tpu.memory_space<hbm>> -> memref<10240xi32, #tpu.memory_space<hbm>>
      tpu.wait_dma2 semaphore(%run_scoped3A : memref<!tpu.dma_semaphore, #tpu.memory_space<semaphore_mem>>) src(%dma_wait3A_11 : memref<10240xi32, #tpu.memory_space<hbm>>) dst(%arg6 : memref<10240xi32, #tpu.memory_space<vmem>>)
      tpu.yield
    }) : () -> ()
    %iota3A = tpu.iota {dimensions = array<i32: 0>} : vector<16xi32>
    %scan3A = arith.constant 0 : i32
    %scan3A_3 = arith.constant 0 : i32
    %scan3A_4 = arith.constant 640 : i32
    %scan3A_5 = arith.addi %scan3A_3, %scan3A_4 : i32
    %scan3A_6 = arith.constant 1 : i32
    scf.for %scan3A_10 = %scan3A_3 to %scan3A_5 step %scan3A_6  : i32 {
      %mul3A_11 = arith.constant 16 : i32
      %mul3A_12 = arith.muli %scan3A_10, %mul3A_11 : i32
      %get3A = arith.index_cast %mul3A_12 : i32 to index
      %get3A_13 = tpu.vector_load %arg6[%get3A] {strides = array<i32>} : memref<10240xi32, #tpu.memory_space<vmem>>, vector<16xi32>,
      %mul3A_14 = arith.constant 3 : i32
      %mul3A_15 = vector.broadcast %mul3A_14 : i32 to vector<16xi32>
      %mul3A_16 = arith.muli %get3A_13, %mul3A_15 : vector<16xi32>
      %mul3A_17 = arith.constant 3 : i32
      %mul3A_18 = vector.broadcast %mul3A_17 : i32 to vector<16xi32>
      %mul3A_19 = arith.muli %iota3A, %mul3A_18 : vector<16xi32>
      %mul3A_20 = arith.constant 48 : i32
      %mul3A_21 = arith.muli %scan3A_10, %mul3A_20 : i32
      %add3A_22 = vector.broadcast %mul3A_21 : i32 to vector<16xi32>
      %add3A_23 = arith.addi %mul3A_19, %add3A_22 : vector<16xi32>
      %add3A_24 = arith.constant 0 : i32
      %add3A_25 = vector.broadcast %add3A_24 : i32 to vector<16xi32>
      %add3A_26 = arith.addi %mul3A_16, %add3A_25 : vector<16xi32>
      %gather3A = tpu.vector_load_idx %arg5[%add3A_26] : memref<49152xf32, #tpu.memory_space<vmem>>[vector<16xi32>], vector<16xf32>,
      %add3A_27 = arith.constant 0 : i32
      %add3A_28 = vector.broadcast %add3A_27 : i32 to vector<16xi32>
      %add3A_29 = arith.addi %add3A_23, %add3A_28 : vector<16xi32>
      tpu.vector_store_idx %arg7[%add3A_29], %gather3A : memref<30720xf32, #tpu.memory_space<vmem>>[vector<16xi32>], vector<16xf32>,
      %add3A_30 = arith.constant 1 : i32
      %add3A_31 = vector.broadcast %add3A_30 : i32 to vector<16xi32>
      %add3A_32 = arith.addi %mul3A_16, %add3A_31 : vector<16xi32>
      %gather3A_33 = tpu.vector_load_idx %arg5[%add3A_32] : memref<49152xf32, #tpu.memory_space<vmem>>[vector<16xi32>], vector<16xf32>,
      %add3A_34 = arith.constant 1 : i32
      %add3A_35 = vector.broadcast %add3A_34 : i32 to vector<16xi32>
      %add3A_36 = arith.addi %add3A_23, %add3A_35 : vector<16xi32>
      tpu.vector_store_idx %arg7[%add3A_36], %gather3A_33 : memref<30720xf32, #tpu.memory_space<vmem>>[vector<16xi32>], vector<16xf32>,
      %add3A_37 = arith.constant 2 : i32
      %add3A_38 = vector.broadcast %add3A_37 : i32 to vector<16xi32>
      %add3A_39 = arith.addi %mul3A_16, %add3A_38 : vector<16xi32>
      %gather3A_40 = tpu.vector_load_idx %arg5[%add3A_39] : memref<49152xf32, #tpu.memory_space<vmem>>[vector<16xi32>], vector<16xf32>,
      %add3A_41 = arith.constant 2 : i32
      %add3A_42 = vector.broadcast %add3A_41 : i32 to vector<16xi32>
      %add3A_43 = arith.addi %add3A_23, %add3A_42 : vector<16xi32>
      tpu.vector_store_idx %arg7[%add3A_43], %gather3A_40 : memref<30720xf32, #tpu.memory_space<vmem>>[vector<16xi32>], vector<16xf32>,
    }
    %scan3A_7 = arith.constant 640 : i32
    %mul3A_8 = arith.constant 3 : i32
    %mul3A_9 = arith.muli %mul3A_2, %mul3A_8 : i32
    "tpu.region"() ({
      %run_scoped3A = tpu.sem_alloc : memref<!tpu.dma_semaphore, #tpu.memory_space<semaphore_mem>>
      %dma_start3A = tpu.memref_slice %arg4[%mul3A_9] : memref<983040xf32, #tpu.memory_space<hbm>> -> memref<30720xf32, #tpu.memory_space<hbm>>
      %dma_start3A_10 = tpu.memref_slice %arg4[%mul3A_9] : memref<983040xf32, #tpu.memory_space<hbm>> -> memref<30720xf32, #tpu.memory_space<hbm>>
      tpu.enqueue_dma source(%arg7 : memref<30720xf32, #tpu.memory_space<vmem>>) target(%dma_start3A_10 : memref<30720xf32, #tpu.memory_space<hbm>>) target_semaphore(%run_scoped3A : memref<!tpu.dma_semaphore, #tpu.memory_space<semaphore_mem>>)
      %dma_wait3A = tpu.memref_slice %arg4[%mul3A_9] : memref<983040xf32, #tpu.memory_space<hbm>> -> memref<30720xf32, #tpu.memory_space<hbm>>
      %dma_wait3A_11 = tpu.memref_slice %arg4[%mul3A_9] : memref<983040xf32, #tpu.memory_space<hbm>> -> memref<30720xf32, #tpu.memory_space<hbm>>
      tpu.wait_dma2 semaphore(%run_scoped3A : memref<!tpu.dma_semaphore, #tpu.memory_space<semaphore_mem>>) src(%arg7 : memref<30720xf32, #tpu.memory_space<vmem>>) dst(%dma_wait3A_11 : memref<30720xf32, #tpu.memory_space<hbm>>)
      tpu.yield
    }) : () -> ()
    return
  }
}

module attributes {stable_mosaic.version = 14 : i64} {
  func.func @_knn_idx_kernel(%arg0: i32, %arg1: i32, %arg2: memref<1x3x2048xf32, #tpu.memory_space<vmem>>, %arg3: memref<1x256x3xf32, #tpu.memory_space<vmem>>, %arg4: memref<1x256x32xi32, #tpu.memory_space<vmem>>) attributes {dimension_semantics = [#tpu.dimension_semantics<parallel>, #tpu.dimension_semantics<parallel>], iteration_bounds = array<i64: 8, 8>, scalar_prefetch = 0 : i64, scratch_operands = 0 : i64, tpu.core_type = #tpu.core_type<tc>, window_params = [{transform_indices = @transform_0, window_bounds = array<i64: 1, 3, 2048>}, {transform_indices = @transform_1, window_bounds = array<i64: 1, 256, 3>}, {transform_indices = @transform_2, window_bounds = array<i64: 1, 256, 32>}]} {
    %get3A = arith.constant 0 : index
    %get3A_0 = arith.constant 0 : index
    %get3A_1 = arith.constant 0 : index
    %get3A_2 = vector.load %arg2[%get3A, %get3A_0, %get3A_1] : memref<1x3x2048xf32, #tpu.memory_space<vmem>>, vector<1x3x2048xf32>
    %get3A_3 = vector.shape_cast %get3A_2 : vector<1x3x2048xf32> to vector<3x2048xf32>
    %get3A_4 = arith.constant 0 : index
    %get3A_5 = arith.constant 0 : index
    %get3A_6 = arith.constant 0 : index
    %get3A_7 = vector.load %arg3[%get3A_4, %get3A_5, %get3A_6] : memref<1x256x3xf32, #tpu.memory_space<vmem>>, vector<1x256x3xf32>
    %get3A_8 = vector.shape_cast %get3A_7 : vector<1x256x3xf32> to vector<256x3xf32>
    %mul3A = arith.mulf %get3A_3, %get3A_3 : vector<3x2048xf32>
    %reduce_sum3A = arith.constant dense<0.000000e+00> : vector<2048xf32>
    %reduce_sum3A_9 = vector.multi_reduction <add>, %mul3A, %reduce_sum3A [0] : vector<3x2048xf32> to vector<2048xf32>
    %broadcast_in_dim3A = vector.shape_cast %reduce_sum3A_9 : vector<2048xf32> to vector<1x2048xf32>
    %mul3A_10 = arith.mulf %get3A_8, %get3A_8 : vector<256x3xf32>
    %reduce_sum3A_11 = arith.constant dense<0.000000e+00> : vector<256xf32>
    %reduce_sum3A_12 = vector.multi_reduction <add>, %mul3A_10, %reduce_sum3A_11 [1] : vector<256x3xf32> to vector<256xf32>
    %broadcast_in_dim3A_13 = vector.shape_cast %reduce_sum3A_12 : vector<256xf32> to vector<256x1xf32>
    %dot_general3A = arith.constant dense<0.000000e+00> : vector<256x2048xf32>
    %dot_general3A_14 = tpu.matmul %get3A_8, %get3A_3, %dot_general3A {dimension_numbers = #tpu.dot_dimension_numbers<[1], [0], [0], [1], [0, 0, 1, 1], [], []>, transpose_lhs_hint = false} : vector<256x3xf32>, vector<3x2048xf32>, vector<256x2048xf32> -> vector<256x2048xf32>
    %add3A = vector.broadcast %broadcast_in_dim3A_13 : vector<256x1xf32> to vector<256x2048xf32>
    %add3A_15 = vector.broadcast %broadcast_in_dim3A : vector<1x2048xf32> to vector<256x2048xf32>
    %add3A_16 = arith.addf %add3A, %add3A_15 : vector<256x2048xf32>
    %mul3A_17 = arith.constant 2.000000e+00 : f32
    %mul3A_18 = vector.broadcast %mul3A_17 : f32 to vector<256x2048xf32>
    %mul3A_19 = arith.mulf %mul3A_18, %dot_general3A_14 : vector<256x2048xf32>
    %sub3A = arith.subf %add3A_16, %mul3A_19 : vector<256x2048xf32>
    %iota3A = tpu.iota {dimensions = array<i32: 1>} : vector<256x2048xi32>
    %iota3A_20 = tpu.iota {dimensions = array<i32: 1>} : vector<256x32xi32>
    %broadcast_in_dim3A_21 = arith.constant 0 : i32
    %broadcast_in_dim3A_22 = vector.broadcast %broadcast_in_dim3A_21 : i32 to vector<256x32xi32>
    %argmin3A = tpu.reduce_index %sub3A {axis = 1 : i32, kind = #tpu.reduction_kind<arg_min>} : vector<256x2048xf32> -> vector<256xi32>
    %broadcast_in_dim3A_23 = vector.shape_cast %argmin3A : vector<256xi32> to vector<256x1xi32>
    %eq3A = vector.broadcast %broadcast_in_dim3A_23 : vector<256x1xi32> to vector<256x2048xi32>
    %eq3A_24 = arith.cmpi eq, %iota3A, %eq3A : vector<256x2048xi32>
    %jit3A = arith.constant 0x7F800000 : f32
    %broadcast_in_dim3A_25 = vector.broadcast %jit3A : f32 to vector<256x2048xf32>
    %select_n3A = arith.select %eq3A_24, %broadcast_in_dim3A_25, %sub3A : vector<256x2048xi1>, vector<256x2048xf32>
    %eq3A_26 = arith.constant 0 : i32
    %eq3A_27 = vector.broadcast %eq3A_26 : i32 to vector<256x32xi32>
    %eq3A_28 = arith.cmpi eq, %iota3A_20, %eq3A_27 : vector<256x32xi32>
    %mul3A_29 = arith.constant 2048 : i32
    %mul3A_30 = arith.muli %arg0, %mul3A_29 : i32
    %add3A_31 = vector.broadcast %mul3A_30 : i32 to vector<256x1xi32>
    %add3A_32 = arith.addi %broadcast_in_dim3A_23, %add3A_31 : vector<256x1xi32>
    %broadcast_in_dim3A_33 = vector.shape_cast %add3A_32 : vector<256x1xi32> to vector<256x1xi32>
    %broadcast_in_dim3A_34 = vector.broadcast %broadcast_in_dim3A_33 : vector<256x1xi32> to vector<256x32xi32>
    %select_n3A_35 = arith.select %eq3A_28, %broadcast_in_dim3A_34, %broadcast_in_dim3A_22 : vector<256x32xi1>, vector<256x32xi32>
    %argmin3A_36 = tpu.reduce_index %select_n3A {axis = 1 : i32, kind = #tpu.reduction_kind<arg_min>} : vector<256x2048xf32> -> vector<256xi32>
    %broadcast_in_dim3A_37 = vector.shape_cast %argmin3A_36 : vector<256xi32> to vector<256x1xi32>
    %eq3A_38 = vector.broadcast %broadcast_in_dim3A_37 : vector<256x1xi32> to vector<256x2048xi32>
    %eq3A_39 = arith.cmpi eq, %iota3A, %eq3A_38 : vector<256x2048xi32>
    %jit3A_40 = arith.constant 0x7F800000 : f32
    %broadcast_in_dim3A_41 = vector.broadcast %jit3A_40 : f32 to vector<256x2048xf32>
    %select_n3A_42 = arith.select %eq3A_39, %broadcast_in_dim3A_41, %select_n3A : vector<256x2048xi1>, vector<256x2048xf32>
    %eq3A_43 = arith.constant 1 : i32
    %eq3A_44 = vector.broadcast %eq3A_43 : i32 to vector<256x32xi32>
    %eq3A_45 = arith.cmpi eq, %iota3A_20, %eq3A_44 : vector<256x32xi32>
    %mul3A_46 = arith.constant 2048 : i32
    %mul3A_47 = arith.muli %arg0, %mul3A_46 : i32
    %add3A_48 = vector.broadcast %mul3A_47 : i32 to vector<256x1xi32>
    %add3A_49 = arith.addi %broadcast_in_dim3A_37, %add3A_48 : vector<256x1xi32>
    %broadcast_in_dim3A_50 = vector.shape_cast %add3A_49 : vector<256x1xi32> to vector<256x1xi32>
    %broadcast_in_dim3A_51 = vector.broadcast %broadcast_in_dim3A_50 : vector<256x1xi32> to vector<256x32xi32>
    %select_n3A_52 = arith.select %eq3A_45, %broadcast_in_dim3A_51, %select_n3A_35 : vector<256x32xi1>, vector<256x32xi32>
    %argmin3A_53 = tpu.reduce_index %select_n3A_42 {axis = 1 : i32, kind = #tpu.reduction_kind<arg_min>} : vector<256x2048xf32> -> vector<256xi32>
    %broadcast_in_dim3A_54 = vector.shape_cast %argmin3A_53 : vector<256xi32> to vector<256x1xi32>
    %eq3A_55 = vector.broadcast %broadcast_in_dim3A_54 : vector<256x1xi32> to vector<256x2048xi32>
    %eq3A_56 = arith.cmpi eq, %iota3A, %eq3A_55 : vector<256x2048xi32>
    %jit3A_57 = arith.constant 0x7F800000 : f32
    %broadcast_in_dim3A_58 = vector.broadcast %jit3A_57 : f32 to vector<256x2048xf32>
    %select_n3A_59 = arith.select %eq3A_56, %broadcast_in_dim3A_58, %select_n3A_42 : vector<256x2048xi1>, vector<256x2048xf32>
    %eq3A_60 = arith.constant 2 : i32
    %eq3A_61 = vector.broadcast %eq3A_60 : i32 to vector<256x32xi32>
    %eq3A_62 = arith.cmpi eq, %iota3A_20, %eq3A_61 : vector<256x32xi32>
    %mul3A_63 = arith.constant 2048 : i32
    %mul3A_64 = arith.muli %arg0, %mul3A_63 : i32
    %add3A_65 = vector.broadcast %mul3A_64 : i32 to vector<256x1xi32>
    %add3A_66 = arith.addi %broadcast_in_dim3A_54, %add3A_65 : vector<256x1xi32>
    %broadcast_in_dim3A_67 = vector.shape_cast %add3A_66 : vector<256x1xi32> to vector<256x1xi32>
    %broadcast_in_dim3A_68 = vector.broadcast %broadcast_in_dim3A_67 : vector<256x1xi32> to vector<256x32xi32>
    %select_n3A_69 = arith.select %eq3A_62, %broadcast_in_dim3A_68, %select_n3A_52 : vector<256x32xi1>, vector<256x32xi32>
    %argmin3A_70 = tpu.reduce_index %select_n3A_59 {axis = 1 : i32, kind = #tpu.reduction_kind<arg_min>} : vector<256x2048xf32> -> vector<256xi32>
    %broadcast_in_dim3A_71 = vector.shape_cast %argmin3A_70 : vector<256xi32> to vector<256x1xi32>
    %eq3A_72 = vector.broadcast %broadcast_in_dim3A_71 : vector<256x1xi32> to vector<256x2048xi32>
    %eq3A_73 = arith.cmpi eq, %iota3A, %eq3A_72 : vector<256x2048xi32>
    %jit3A_74 = arith.constant 0x7F800000 : f32
    %broadcast_in_dim3A_75 = vector.broadcast %jit3A_74 : f32 to vector<256x2048xf32>
    %select_n3A_76 = arith.select %eq3A_73, %broadcast_in_dim3A_75, %select_n3A_59 : vector<256x2048xi1>, vector<256x2048xf32>
    %eq3A_77 = arith.constant 3 : i32
    %eq3A_78 = vector.broadcast %eq3A_77 : i32 to vector<256x32xi32>
    %eq3A_79 = arith.cmpi eq, %iota3A_20, %eq3A_78 : vector<256x32xi32>
    %mul3A_80 = arith.constant 2048 : i32
    %mul3A_81 = arith.muli %arg0, %mul3A_80 : i32
    %add3A_82 = vector.broadcast %mul3A_81 : i32 to vector<256x1xi32>
    %add3A_83 = arith.addi %broadcast_in_dim3A_71, %add3A_82 : vector<256x1xi32>
    %broadcast_in_dim3A_84 = vector.shape_cast %add3A_83 : vector<256x1xi32> to vector<256x1xi32>
    %broadcast_in_dim3A_85 = vector.broadcast %broadcast_in_dim3A_84 : vector<256x1xi32> to vector<256x32xi32>
    %select_n3A_86 = arith.select %eq3A_79, %broadcast_in_dim3A_85, %select_n3A_69 : vector<256x32xi1>, vector<256x32xi32>
    %argmin3A_87 = tpu.reduce_index %select_n3A_76 {axis = 1 : i32, kind = #tpu.reduction_kind<arg_min>} : vector<256x2048xf32> -> vector<256xi32>
    %broadcast_in_dim3A_88 = vector.shape_cast %argmin3A_87 : vector<256xi32> to vector<256x1xi32>
    %eq3A_89 = vector.broadcast %broadcast_in_dim3A_88 : vector<256x1xi32> to vector<256x2048xi32>
    %eq3A_90 = arith.cmpi eq, %iota3A, %eq3A_89 : vector<256x2048xi32>
    %jit3A_91 = arith.constant 0x7F800000 : f32
    %broadcast_in_dim3A_92 = vector.broadcast %jit3A_91 : f32 to vector<256x2048xf32>
    %select_n3A_93 = arith.select %eq3A_90, %broadcast_in_dim3A_92, %select_n3A_76 : vector<256x2048xi1>, vector<256x2048xf32>
    %eq3A_94 = arith.constant 4 : i32
    %eq3A_95 = vector.broadcast %eq3A_94 : i32 to vector<256x32xi32>
    %eq3A_96 = arith.cmpi eq, %iota3A_20, %eq3A_95 : vector<256x32xi32>
    %mul3A_97 = arith.constant 2048 : i32
    %mul3A_98 = arith.muli %arg0, %mul3A_97 : i32
    %add3A_99 = vector.broadcast %mul3A_98 : i32 to vector<256x1xi32>
    %add3A_100 = arith.addi %broadcast_in_dim3A_88, %add3A_99 : vector<256x1xi32>
    %broadcast_in_dim3A_101 = vector.shape_cast %add3A_100 : vector<256x1xi32> to vector<256x1xi32>
    %broadcast_in_dim3A_102 = vector.broadcast %broadcast_in_dim3A_101 : vector<256x1xi32> to vector<256x32xi32>
    %select_n3A_103 = arith.select %eq3A_96, %broadcast_in_dim3A_102, %select_n3A_86 : vector<256x32xi1>, vector<256x32xi32>
    %argmin3A_104 = tpu.reduce_index %select_n3A_93 {axis = 1 : i32, kind = #tpu.reduction_kind<arg_min>} : vector<256x2048xf32> -> vector<256xi32>
    %broadcast_in_dim3A_105 = vector.shape_cast %argmin3A_104 : vector<256xi32> to vector<256x1xi32>
    %eq3A_106 = vector.broadcast %broadcast_in_dim3A_105 : vector<256x1xi32> to vector<256x2048xi32>
    %eq3A_107 = arith.cmpi eq, %iota3A, %eq3A_106 : vector<256x2048xi32>
    %jit3A_108 = arith.constant 0x7F800000 : f32
    %broadcast_in_dim3A_109 = vector.broadcast %jit3A_108 : f32 to vector<256x2048xf32>
    %select_n3A_110 = arith.select %eq3A_107, %broadcast_in_dim3A_109, %select_n3A_93 : vector<256x2048xi1>, vector<256x2048xf32>
    %eq3A_111 = arith.constant 5 : i32
    %eq3A_112 = vector.broadcast %eq3A_111 : i32 to vector<256x32xi32>
    %eq3A_113 = arith.cmpi eq, %iota3A_20, %eq3A_112 : vector<256x32xi32>
    %mul3A_114 = arith.constant 2048 : i32
    %mul3A_115 = arith.muli %arg0, %mul3A_114 : i32
    %add3A_116 = vector.broadcast %mul3A_115 : i32 to vector<256x1xi32>
    %add3A_117 = arith.addi %broadcast_in_dim3A_105, %add3A_116 : vector<256x1xi32>
    %broadcast_in_dim3A_118 = vector.shape_cast %add3A_117 : vector<256x1xi32> to vector<256x1xi32>
    %broadcast_in_dim3A_119 = vector.broadcast %broadcast_in_dim3A_118 : vector<256x1xi32> to vector<256x32xi32>
    %select_n3A_120 = arith.select %eq3A_113, %broadcast_in_dim3A_119, %select_n3A_103 : vector<256x32xi1>, vector<256x32xi32>
    %argmin3A_121 = tpu.reduce_index %select_n3A_110 {axis = 1 : i32, kind = #tpu.reduction_kind<arg_min>} : vector<256x2048xf32> -> vector<256xi32>
    %broadcast_in_dim3A_122 = vector.shape_cast %argmin3A_121 : vector<256xi32> to vector<256x1xi32>
    %eq3A_123 = vector.broadcast %broadcast_in_dim3A_122 : vector<256x1xi32> to vector<256x2048xi32>
    %eq3A_124 = arith.cmpi eq, %iota3A, %eq3A_123 : vector<256x2048xi32>
    %jit3A_125 = arith.constant 0x7F800000 : f32
    %broadcast_in_dim3A_126 = vector.broadcast %jit3A_125 : f32 to vector<256x2048xf32>
    %select_n3A_127 = arith.select %eq3A_124, %broadcast_in_dim3A_126, %select_n3A_110 : vector<256x2048xi1>, vector<256x2048xf32>
    %eq3A_128 = arith.constant 6 : i32
    %eq3A_129 = vector.broadcast %eq3A_128 : i32 to vector<256x32xi32>
    %eq3A_130 = arith.cmpi eq, %iota3A_20, %eq3A_129 : vector<256x32xi32>
    %mul3A_131 = arith.constant 2048 : i32
    %mul3A_132 = arith.muli %arg0, %mul3A_131 : i32
    %add3A_133 = vector.broadcast %mul3A_132 : i32 to vector<256x1xi32>
    %add3A_134 = arith.addi %broadcast_in_dim3A_122, %add3A_133 : vector<256x1xi32>
    %broadcast_in_dim3A_135 = vector.shape_cast %add3A_134 : vector<256x1xi32> to vector<256x1xi32>
    %broadcast_in_dim3A_136 = vector.broadcast %broadcast_in_dim3A_135 : vector<256x1xi32> to vector<256x32xi32>
    %select_n3A_137 = arith.select %eq3A_130, %broadcast_in_dim3A_136, %select_n3A_120 : vector<256x32xi1>, vector<256x32xi32>
    %argmin3A_138 = tpu.reduce_index %select_n3A_127 {axis = 1 : i32, kind = #tpu.reduction_kind<arg_min>} : vector<256x2048xf32> -> vector<256xi32>
    %broadcast_in_dim3A_139 = vector.shape_cast %argmin3A_138 : vector<256xi32> to vector<256x1xi32>
    %eq3A_140 = vector.broadcast %broadcast_in_dim3A_139 : vector<256x1xi32> to vector<256x2048xi32>
    %eq3A_141 = arith.cmpi eq, %iota3A, %eq3A_140 : vector<256x2048xi32>
    %jit3A_142 = arith.constant 0x7F800000 : f32
    %broadcast_in_dim3A_143 = vector.broadcast %jit3A_142 : f32 to vector<256x2048xf32>
    %select_n3A_144 = arith.select %eq3A_141, %broadcast_in_dim3A_143, %select_n3A_127 : vector<256x2048xi1>, vector<256x2048xf32>
    %eq3A_145 = arith.constant 7 : i32
    %eq3A_146 = vector.broadcast %eq3A_145 : i32 to vector<256x32xi32>
    %eq3A_147 = arith.cmpi eq, %iota3A_20, %eq3A_146 : vector<256x32xi32>
    %mul3A_148 = arith.constant 2048 : i32
    %mul3A_149 = arith.muli %arg0, %mul3A_148 : i32
    %add3A_150 = vector.broadcast %mul3A_149 : i32 to vector<256x1xi32>
    %add3A_151 = arith.addi %broadcast_in_dim3A_139, %add3A_150 : vector<256x1xi32>
    %broadcast_in_dim3A_152 = vector.shape_cast %add3A_151 : vector<256x1xi32> to vector<256x1xi32>
    %broadcast_in_dim3A_153 = vector.broadcast %broadcast_in_dim3A_152 : vector<256x1xi32> to vector<256x32xi32>
    %select_n3A_154 = arith.select %eq3A_147, %broadcast_in_dim3A_153, %select_n3A_137 : vector<256x32xi1>, vector<256x32xi32>
    %argmin3A_155 = tpu.reduce_index %select_n3A_144 {axis = 1 : i32, kind = #tpu.reduction_kind<arg_min>} : vector<256x2048xf32> -> vector<256xi32>
    %broadcast_in_dim3A_156 = vector.shape_cast %argmin3A_155 : vector<256xi32> to vector<256x1xi32>
    %eq3A_157 = vector.broadcast %broadcast_in_dim3A_156 : vector<256x1xi32> to vector<256x2048xi32>
    %eq3A_158 = arith.cmpi eq, %iota3A, %eq3A_157 : vector<256x2048xi32>
    %jit3A_159 = arith.constant 0x7F800000 : f32
    %broadcast_in_dim3A_160 = vector.broadcast %jit3A_159 : f32 to vector<256x2048xf32>
    %select_n3A_161 = arith.select %eq3A_158, %broadcast_in_dim3A_160, %select_n3A_144 : vector<256x2048xi1>, vector<256x2048xf32>
    %eq3A_162 = arith.constant 8 : i32
    %eq3A_163 = vector.broadcast %eq3A_162 : i32 to vector<256x32xi32>
    %eq3A_164 = arith.cmpi eq, %iota3A_20, %eq3A_163 : vector<256x32xi32>
    %mul3A_165 = arith.constant 2048 : i32
    %mul3A_166 = arith.muli %arg0, %mul3A_165 : i32
    %add3A_167 = vector.broadcast %mul3A_166 : i32 to vector<256x1xi32>
    %add3A_168 = arith.addi %broadcast_in_dim3A_156, %add3A_167 : vector<256x1xi32>
    %broadcast_in_dim3A_169 = vector.shape_cast %add3A_168 : vector<256x1xi32> to vector<256x1xi32>
    %broadcast_in_dim3A_170 = vector.broadcast %broadcast_in_dim3A_169 : vector<256x1xi32> to vector<256x32xi32>
    %select_n3A_171 = arith.select %eq3A_164, %broadcast_in_dim3A_170, %select_n3A_154 : vector<256x32xi1>, vector<256x32xi32>
    %argmin3A_172 = tpu.reduce_index %select_n3A_161 {axis = 1 : i32, kind = #tpu.reduction_kind<arg_min>} : vector<256x2048xf32> -> vector<256xi32>
    %broadcast_in_dim3A_173 = vector.shape_cast %argmin3A_172 : vector<256xi32> to vector<256x1xi32>
    %eq3A_174 = vector.broadcast %broadcast_in_dim3A_173 : vector<256x1xi32> to vector<256x2048xi32>
    %eq3A_175 = arith.cmpi eq, %iota3A, %eq3A_174 : vector<256x2048xi32>
    %jit3A_176 = arith.constant 0x7F800000 : f32
    %broadcast_in_dim3A_177 = vector.broadcast %jit3A_176 : f32 to vector<256x2048xf32>
    %select_n3A_178 = arith.select %eq3A_175, %broadcast_in_dim3A_177, %select_n3A_161 : vector<256x2048xi1>, vector<256x2048xf32>
    %eq3A_179 = arith.constant 9 : i32
    %eq3A_180 = vector.broadcast %eq3A_179 : i32 to vector<256x32xi32>
    %eq3A_181 = arith.cmpi eq, %iota3A_20, %eq3A_180 : vector<256x32xi32>
    %mul3A_182 = arith.constant 2048 : i32
    %mul3A_183 = arith.muli %arg0, %mul3A_182 : i32
    %add3A_184 = vector.broadcast %mul3A_183 : i32 to vector<256x1xi32>
    %add3A_185 = arith.addi %broadcast_in_dim3A_173, %add3A_184 : vector<256x1xi32>
    %broadcast_in_dim3A_186 = vector.shape_cast %add3A_185 : vector<256x1xi32> to vector<256x1xi32>
    %broadcast_in_dim3A_187 = vector.broadcast %broadcast_in_dim3A_186 : vector<256x1xi32> to vector<256x32xi32>
    %select_n3A_188 = arith.select %eq3A_181, %broadcast_in_dim3A_187, %select_n3A_171 : vector<256x32xi1>, vector<256x32xi32>
    %argmin3A_189 = tpu.reduce_index %select_n3A_178 {axis = 1 : i32, kind = #tpu.reduction_kind<arg_min>} : vector<256x2048xf32> -> vector<256xi32>
    %broadcast_in_dim3A_190 = vector.shape_cast %argmin3A_189 : vector<256xi32> to vector<256x1xi32>
    %eq3A_191 = vector.broadcast %broadcast_in_dim3A_190 : vector<256x1xi32> to vector<256x2048xi32>
    %eq3A_192 = arith.cmpi eq, %iota3A, %eq3A_191 : vector<256x2048xi32>
    %jit3A_193 = arith.constant 0x7F800000 : f32
    %broadcast_in_dim3A_194 = vector.broadcast %jit3A_193 : f32 to vector<256x2048xf32>
    %select_n3A_195 = arith.select %eq3A_192, %broadcast_in_dim3A_194, %select_n3A_178 : vector<256x2048xi1>, vector<256x2048xf32>
    %eq3A_196 = arith.constant 10 : i32
    %eq3A_197 = vector.broadcast %eq3A_196 : i32 to vector<256x32xi32>
    %eq3A_198 = arith.cmpi eq, %iota3A_20, %eq3A_197 : vector<256x32xi32>
    %mul3A_199 = arith.constant 2048 : i32
    %mul3A_200 = arith.muli %arg0, %mul3A_199 : i32
    %add3A_201 = vector.broadcast %mul3A_200 : i32 to vector<256x1xi32>
    %add3A_202 = arith.addi %broadcast_in_dim3A_190, %add3A_201 : vector<256x1xi32>
    %broadcast_in_dim3A_203 = vector.shape_cast %add3A_202 : vector<256x1xi32> to vector<256x1xi32>
    %broadcast_in_dim3A_204 = vector.broadcast %broadcast_in_dim3A_203 : vector<256x1xi32> to vector<256x32xi32>
    %select_n3A_205 = arith.select %eq3A_198, %broadcast_in_dim3A_204, %select_n3A_188 : vector<256x32xi1>, vector<256x32xi32>
    %argmin3A_206 = tpu.reduce_index %select_n3A_195 {axis = 1 : i32, kind = #tpu.reduction_kind<arg_min>} : vector<256x2048xf32> -> vector<256xi32>
    %broadcast_in_dim3A_207 = vector.shape_cast %argmin3A_206 : vector<256xi32> to vector<256x1xi32>
    %eq3A_208 = vector.broadcast %broadcast_in_dim3A_207 : vector<256x1xi32> to vector<256x2048xi32>
    %eq3A_209 = arith.cmpi eq, %iota3A, %eq3A_208 : vector<256x2048xi32>
    %jit3A_210 = arith.constant 0x7F800000 : f32
    %broadcast_in_dim3A_211 = vector.broadcast %jit3A_210 : f32 to vector<256x2048xf32>
    %select_n3A_212 = arith.select %eq3A_209, %broadcast_in_dim3A_211, %select_n3A_195 : vector<256x2048xi1>, vector<256x2048xf32>
    %eq3A_213 = arith.constant 11 : i32
    %eq3A_214 = vector.broadcast %eq3A_213 : i32 to vector<256x32xi32>
    %eq3A_215 = arith.cmpi eq, %iota3A_20, %eq3A_214 : vector<256x32xi32>
    %mul3A_216 = arith.constant 2048 : i32
    %mul3A_217 = arith.muli %arg0, %mul3A_216 : i32
    %add3A_218 = vector.broadcast %mul3A_217 : i32 to vector<256x1xi32>
    %add3A_219 = arith.addi %broadcast_in_dim3A_207, %add3A_218 : vector<256x1xi32>
    %broadcast_in_dim3A_220 = vector.shape_cast %add3A_219 : vector<256x1xi32> to vector<256x1xi32>
    %broadcast_in_dim3A_221 = vector.broadcast %broadcast_in_dim3A_220 : vector<256x1xi32> to vector<256x32xi32>
    %select_n3A_222 = arith.select %eq3A_215, %broadcast_in_dim3A_221, %select_n3A_205 : vector<256x32xi1>, vector<256x32xi32>
    %argmin3A_223 = tpu.reduce_index %select_n3A_212 {axis = 1 : i32, kind = #tpu.reduction_kind<arg_min>} : vector<256x2048xf32> -> vector<256xi32>
    %broadcast_in_dim3A_224 = vector.shape_cast %argmin3A_223 : vector<256xi32> to vector<256x1xi32>
    %eq3A_225 = vector.broadcast %broadcast_in_dim3A_224 : vector<256x1xi32> to vector<256x2048xi32>
    %eq3A_226 = arith.cmpi eq, %iota3A, %eq3A_225 : vector<256x2048xi32>
    %jit3A_227 = arith.constant 0x7F800000 : f32
    %broadcast_in_dim3A_228 = vector.broadcast %jit3A_227 : f32 to vector<256x2048xf32>
    %select_n3A_229 = arith.select %eq3A_226, %broadcast_in_dim3A_228, %select_n3A_212 : vector<256x2048xi1>, vector<256x2048xf32>
    %eq3A_230 = arith.constant 12 : i32
    %eq3A_231 = vector.broadcast %eq3A_230 : i32 to vector<256x32xi32>
    %eq3A_232 = arith.cmpi eq, %iota3A_20, %eq3A_231 : vector<256x32xi32>
    %mul3A_233 = arith.constant 2048 : i32
    %mul3A_234 = arith.muli %arg0, %mul3A_233 : i32
    %add3A_235 = vector.broadcast %mul3A_234 : i32 to vector<256x1xi32>
    %add3A_236 = arith.addi %broadcast_in_dim3A_224, %add3A_235 : vector<256x1xi32>
    %broadcast_in_dim3A_237 = vector.shape_cast %add3A_236 : vector<256x1xi32> to vector<256x1xi32>
    %broadcast_in_dim3A_238 = vector.broadcast %broadcast_in_dim3A_237 : vector<256x1xi32> to vector<256x32xi32>
    %select_n3A_239 = arith.select %eq3A_232, %broadcast_in_dim3A_238, %select_n3A_222 : vector<256x32xi1>, vector<256x32xi32>
    %argmin3A_240 = tpu.reduce_index %select_n3A_229 {axis = 1 : i32, kind = #tpu.reduction_kind<arg_min>} : vector<256x2048xf32> -> vector<256xi32>
    %broadcast_in_dim3A_241 = vector.shape_cast %argmin3A_240 : vector<256xi32> to vector<256x1xi32>
    %eq3A_242 = vector.broadcast %broadcast_in_dim3A_241 : vector<256x1xi32> to vector<256x2048xi32>
    %eq3A_243 = arith.cmpi eq, %iota3A, %eq3A_242 : vector<256x2048xi32>
    %jit3A_244 = arith.constant 0x7F800000 : f32
    %broadcast_in_dim3A_245 = vector.broadcast %jit3A_244 : f32 to vector<256x2048xf32>
    %select_n3A_246 = arith.select %eq3A_243, %broadcast_in_dim3A_245, %select_n3A_229 : vector<256x2048xi1>, vector<256x2048xf32>
    %eq3A_247 = arith.constant 13 : i32
    %eq3A_248 = vector.broadcast %eq3A_247 : i32 to vector<256x32xi32>
    %eq3A_249 = arith.cmpi eq, %iota3A_20, %eq3A_248 : vector<256x32xi32>
    %mul3A_250 = arith.constant 2048 : i32
    %mul3A_251 = arith.muli %arg0, %mul3A_250 : i32
    %add3A_252 = vector.broadcast %mul3A_251 : i32 to vector<256x1xi32>
    %add3A_253 = arith.addi %broadcast_in_dim3A_241, %add3A_252 : vector<256x1xi32>
    %broadcast_in_dim3A_254 = vector.shape_cast %add3A_253 : vector<256x1xi32> to vector<256x1xi32>
    %broadcast_in_dim3A_255 = vector.broadcast %broadcast_in_dim3A_254 : vector<256x1xi32> to vector<256x32xi32>
    %select_n3A_256 = arith.select %eq3A_249, %broadcast_in_dim3A_255, %select_n3A_239 : vector<256x32xi1>, vector<256x32xi32>
    %argmin3A_257 = tpu.reduce_index %select_n3A_246 {axis = 1 : i32, kind = #tpu.reduction_kind<arg_min>} : vector<256x2048xf32> -> vector<256xi32>
    %broadcast_in_dim3A_258 = vector.shape_cast %argmin3A_257 : vector<256xi32> to vector<256x1xi32>
    %eq3A_259 = vector.broadcast %broadcast_in_dim3A_258 : vector<256x1xi32> to vector<256x2048xi32>
    %eq3A_260 = arith.cmpi eq, %iota3A, %eq3A_259 : vector<256x2048xi32>
    %jit3A_261 = arith.constant 0x7F800000 : f32
    %broadcast_in_dim3A_262 = vector.broadcast %jit3A_261 : f32 to vector<256x2048xf32>
    %select_n3A_263 = arith.select %eq3A_260, %broadcast_in_dim3A_262, %select_n3A_246 : vector<256x2048xi1>, vector<256x2048xf32>
    %eq3A_264 = arith.constant 14 : i32
    %eq3A_265 = vector.broadcast %eq3A_264 : i32 to vector<256x32xi32>
    %eq3A_266 = arith.cmpi eq, %iota3A_20, %eq3A_265 : vector<256x32xi32>
    %mul3A_267 = arith.constant 2048 : i32
    %mul3A_268 = arith.muli %arg0, %mul3A_267 : i32
    %add3A_269 = vector.broadcast %mul3A_268 : i32 to vector<256x1xi32>
    %add3A_270 = arith.addi %broadcast_in_dim3A_258, %add3A_269 : vector<256x1xi32>
    %broadcast_in_dim3A_271 = vector.shape_cast %add3A_270 : vector<256x1xi32> to vector<256x1xi32>
    %broadcast_in_dim3A_272 = vector.broadcast %broadcast_in_dim3A_271 : vector<256x1xi32> to vector<256x32xi32>
    %select_n3A_273 = arith.select %eq3A_266, %broadcast_in_dim3A_272, %select_n3A_256 : vector<256x32xi1>, vector<256x32xi32>
    %argmin3A_274 = tpu.reduce_index %select_n3A_263 {axis = 1 : i32, kind = #tpu.reduction_kind<arg_min>} : vector<256x2048xf32> -> vector<256xi32>
    %broadcast_in_dim3A_275 = vector.shape_cast %argmin3A_274 : vector<256xi32> to vector<256x1xi32>
    %eq3A_276 = vector.broadcast %broadcast_in_dim3A_275 : vector<256x1xi32> to vector<256x2048xi32>
    %eq3A_277 = arith.cmpi eq, %iota3A, %eq3A_276 : vector<256x2048xi32>
    %jit3A_278 = arith.constant 0x7F800000 : f32
    %broadcast_in_dim3A_279 = vector.broadcast %jit3A_278 : f32 to vector<256x2048xf32>
    %select_n3A_280 = arith.select %eq3A_277, %broadcast_in_dim3A_279, %select_n3A_263 : vector<256x2048xi1>, vector<256x2048xf32>
    %eq3A_281 = arith.constant 15 : i32
    %eq3A_282 = vector.broadcast %eq3A_281 : i32 to vector<256x32xi32>
    %eq3A_283 = arith.cmpi eq, %iota3A_20, %eq3A_282 : vector<256x32xi32>
    %mul3A_284 = arith.constant 2048 : i32
    %mul3A_285 = arith.muli %arg0, %mul3A_284 : i32
    %add3A_286 = vector.broadcast %mul3A_285 : i32 to vector<256x1xi32>
    %add3A_287 = arith.addi %broadcast_in_dim3A_275, %add3A_286 : vector<256x1xi32>
    %broadcast_in_dim3A_288 = vector.shape_cast %add3A_287 : vector<256x1xi32> to vector<256x1xi32>
    %broadcast_in_dim3A_289 = vector.broadcast %broadcast_in_dim3A_288 : vector<256x1xi32> to vector<256x32xi32>
    %select_n3A_290 = arith.select %eq3A_283, %broadcast_in_dim3A_289, %select_n3A_273 : vector<256x32xi1>, vector<256x32xi32>
    %argmin3A_291 = tpu.reduce_index %select_n3A_280 {axis = 1 : i32, kind = #tpu.reduction_kind<arg_min>} : vector<256x2048xf32> -> vector<256xi32>
    %broadcast_in_dim3A_292 = vector.shape_cast %argmin3A_291 : vector<256xi32> to vector<256x1xi32>
    %eq3A_293 = vector.broadcast %broadcast_in_dim3A_292 : vector<256x1xi32> to vector<256x2048xi32>
    %eq3A_294 = arith.cmpi eq, %iota3A, %eq3A_293 : vector<256x2048xi32>
    %jit3A_295 = arith.constant 0x7F800000 : f32
    %broadcast_in_dim3A_296 = vector.broadcast %jit3A_295 : f32 to vector<256x2048xf32>
    %select_n3A_297 = arith.select %eq3A_294, %broadcast_in_dim3A_296, %select_n3A_280 : vector<256x2048xi1>, vector<256x2048xf32>
    %eq3A_298 = arith.constant 16 : i32
    %eq3A_299 = vector.broadcast %eq3A_298 : i32 to vector<256x32xi32>
    %eq3A_300 = arith.cmpi eq, %iota3A_20, %eq3A_299 : vector<256x32xi32>
    %mul3A_301 = arith.constant 2048 : i32
    %mul3A_302 = arith.muli %arg0, %mul3A_301 : i32
    %add3A_303 = vector.broadcast %mul3A_302 : i32 to vector<256x1xi32>
    %add3A_304 = arith.addi %broadcast_in_dim3A_292, %add3A_303 : vector<256x1xi32>
    %broadcast_in_dim3A_305 = vector.shape_cast %add3A_304 : vector<256x1xi32> to vector<256x1xi32>
    %broadcast_in_dim3A_306 = vector.broadcast %broadcast_in_dim3A_305 : vector<256x1xi32> to vector<256x32xi32>
    %select_n3A_307 = arith.select %eq3A_300, %broadcast_in_dim3A_306, %select_n3A_290 : vector<256x32xi1>, vector<256x32xi32>
    %argmin3A_308 = tpu.reduce_index %select_n3A_297 {axis = 1 : i32, kind = #tpu.reduction_kind<arg_min>} : vector<256x2048xf32> -> vector<256xi32>
    %broadcast_in_dim3A_309 = vector.shape_cast %argmin3A_308 : vector<256xi32> to vector<256x1xi32>
    %eq3A_310 = vector.broadcast %broadcast_in_dim3A_309 : vector<256x1xi32> to vector<256x2048xi32>
    %eq3A_311 = arith.cmpi eq, %iota3A, %eq3A_310 : vector<256x2048xi32>
    %jit3A_312 = arith.constant 0x7F800000 : f32
    %broadcast_in_dim3A_313 = vector.broadcast %jit3A_312 : f32 to vector<256x2048xf32>
    %select_n3A_314 = arith.select %eq3A_311, %broadcast_in_dim3A_313, %select_n3A_297 : vector<256x2048xi1>, vector<256x2048xf32>
    %eq3A_315 = arith.constant 17 : i32
    %eq3A_316 = vector.broadcast %eq3A_315 : i32 to vector<256x32xi32>
    %eq3A_317 = arith.cmpi eq, %iota3A_20, %eq3A_316 : vector<256x32xi32>
    %mul3A_318 = arith.constant 2048 : i32
    %mul3A_319 = arith.muli %arg0, %mul3A_318 : i32
    %add3A_320 = vector.broadcast %mul3A_319 : i32 to vector<256x1xi32>
    %add3A_321 = arith.addi %broadcast_in_dim3A_309, %add3A_320 : vector<256x1xi32>
    %broadcast_in_dim3A_322 = vector.shape_cast %add3A_321 : vector<256x1xi32> to vector<256x1xi32>
    %broadcast_in_dim3A_323 = vector.broadcast %broadcast_in_dim3A_322 : vector<256x1xi32> to vector<256x32xi32>
    %select_n3A_324 = arith.select %eq3A_317, %broadcast_in_dim3A_323, %select_n3A_307 : vector<256x32xi1>, vector<256x32xi32>
    %argmin3A_325 = tpu.reduce_index %select_n3A_314 {axis = 1 : i32, kind = #tpu.reduction_kind<arg_min>} : vector<256x2048xf32> -> vector<256xi32>
    %broadcast_in_dim3A_326 = vector.shape_cast %argmin3A_325 : vector<256xi32> to vector<256x1xi32>
    %eq3A_327 = vector.broadcast %broadcast_in_dim3A_326 : vector<256x1xi32> to vector<256x2048xi32>
    %eq3A_328 = arith.cmpi eq, %iota3A, %eq3A_327 : vector<256x2048xi32>
    %jit3A_329 = arith.constant 0x7F800000 : f32
    %broadcast_in_dim3A_330 = vector.broadcast %jit3A_329 : f32 to vector<256x2048xf32>
    %select_n3A_331 = arith.select %eq3A_328, %broadcast_in_dim3A_330, %select_n3A_314 : vector<256x2048xi1>, vector<256x2048xf32>
    %eq3A_332 = arith.constant 18 : i32
    %eq3A_333 = vector.broadcast %eq3A_332 : i32 to vector<256x32xi32>
    %eq3A_334 = arith.cmpi eq, %iota3A_20, %eq3A_333 : vector<256x32xi32>
    %mul3A_335 = arith.constant 2048 : i32
    %mul3A_336 = arith.muli %arg0, %mul3A_335 : i32
    %add3A_337 = vector.broadcast %mul3A_336 : i32 to vector<256x1xi32>
    %add3A_338 = arith.addi %broadcast_in_dim3A_326, %add3A_337 : vector<256x1xi32>
    %broadcast_in_dim3A_339 = vector.shape_cast %add3A_338 : vector<256x1xi32> to vector<256x1xi32>
    %broadcast_in_dim3A_340 = vector.broadcast %broadcast_in_dim3A_339 : vector<256x1xi32> to vector<256x32xi32>
    %select_n3A_341 = arith.select %eq3A_334, %broadcast_in_dim3A_340, %select_n3A_324 : vector<256x32xi1>, vector<256x32xi32>
    %argmin3A_342 = tpu.reduce_index %select_n3A_331 {axis = 1 : i32, kind = #tpu.reduction_kind<arg_min>} : vector<256x2048xf32> -> vector<256xi32>
    %broadcast_in_dim3A_343 = vector.shape_cast %argmin3A_342 : vector<256xi32> to vector<256x1xi32>
    %eq3A_344 = arith.constant 19 : i32
    %eq3A_345 = vector.broadcast %eq3A_344 : i32 to vector<256x32xi32>
    %eq3A_346 = arith.cmpi eq, %iota3A_20, %eq3A_345 : vector<256x32xi32>
    %mul3A_347 = arith.constant 2048 : i32
    %mul3A_348 = arith.muli %arg0, %mul3A_347 : i32
    %add3A_349 = vector.broadcast %mul3A_348 : i32 to vector<256x1xi32>
    %add3A_350 = arith.addi %broadcast_in_dim3A_343, %add3A_349 : vector<256x1xi32>
    %broadcast_in_dim3A_351 = vector.shape_cast %add3A_350 : vector<256x1xi32> to vector<256x1xi32>
    %broadcast_in_dim3A_352 = vector.broadcast %broadcast_in_dim3A_351 : vector<256x1xi32> to vector<256x32xi32>
    %select_n3A_353 = arith.select %eq3A_346, %broadcast_in_dim3A_352, %select_n3A_341 : vector<256x32xi1>, vector<256x32xi32>
    %swap3A = arith.constant 0 : index
    %swap3A_354 = arith.constant 0 : index
    %swap3A_355 = arith.constant 0 : index
    %swap3A_356 = vector.load %arg4[%swap3A, %swap3A_354, %swap3A_355] : memref<1x256x32xi32, #tpu.memory_space<vmem>>, vector<1x256x32xi32>
    %swap3A_357 = vector.shape_cast %swap3A_356 : vector<1x256x32xi32> to vector<256x32xi32>
    %swap3A_358 = vector.shape_cast %select_n3A_353 : vector<256x32xi32> to vector<1x256x32xi32>
    tpu.vector_store %arg4[%swap3A, %swap3A_354, %swap3A_355], %swap3A_358 {strides = array<i32>} : memref<1x256x32xi32, #tpu.memory_space<vmem>>, vector<1x256x32xi32>,
    return
  }
  func.func @transform_0(%arg0: i32, %arg1: i32) -> (i32, i32, i32) {
    %c0_i32 = arith.constant 0 : i32
    %c0_i32_0 = arith.constant 0 : i32
    %c0_i32_1 = arith.constant 0 : i32
    return %arg0, %c0_i32, %c0_i32_0 : i32, i32, i32
  }
  func.func @transform_1(%arg0: i32, %arg1: i32) -> (i32, i32, i32) {
    %c0_i32 = arith.constant 0 : i32
    %c0_i32_0 = arith.constant 0 : i32
    return %arg0, %arg1, %c0_i32 : i32, i32, i32
  }
  func.func @transform_2(%arg0: i32, %arg1: i32) -> (i32, i32, i32) {
    %c0_i32 = arith.constant 0 : i32
    %c0_i32_0 = arith.constant 0 : i32
    return %arg0, %arg1, %c0_i32 : i32, i32, i32
  }
}

module attributes {stable_mosaic.version = 14 : i64} {
  func.func @_mlp_kernel(%arg0: i32, %arg1: i32, %arg2: memref<20480x3xf32, #tpu.memory_space<vmem>>, %arg3: memref<1x1024x3xf32, #tpu.memory_space<vmem>>, %arg4: memref<6x64xf32, #tpu.memory_space<vmem>>, %arg5: memref<1x64xf32, #tpu.memory_space<vmem>>, %arg6: memref<64x64xf32, #tpu.memory_space<vmem>>, %arg7: memref<1x64xf32, #tpu.memory_space<vmem>>, %arg8: memref<1x1024x64xf32, #tpu.memory_space<vmem>>) attributes {dimension_semantics = [#tpu.dimension_semantics<parallel>, #tpu.dimension_semantics<parallel>], iteration_bounds = array<i64: 8, 2>, scalar_prefetch = 0 : i64, scratch_operands = 0 : i64, tpu.core_type = #tpu.core_type<tc>, window_params = [{transform_indices = @transform_0, window_bounds = array<i64: 20480, 3>}, {transform_indices = @transform_1, window_bounds = array<i64: 1, 1024, 3>}, {pipeline_mode = #tpu.pipeline_mode<synchronous>, transform_indices = @transform_2, window_bounds = array<i64: 6, 64>}, {pipeline_mode = #tpu.pipeline_mode<synchronous>, transform_indices = @transform_3, window_bounds = array<i64: 1, 64>}, {pipeline_mode = #tpu.pipeline_mode<synchronous>, transform_indices = @transform_4, window_bounds = array<i64: 64, 64>}, {pipeline_mode = #tpu.pipeline_mode<synchronous>, transform_indices = @transform_5, window_bounds = array<i64: 1, 64>}, {transform_indices = @transform_6, window_bounds = array<i64: 1, 1024, 64>}]} {
    %get3A = arith.constant 0 : index
    %get3A_0 = arith.constant 0 : index
    %get3A_1 = vector.load %arg2[%get3A, %get3A_0] : memref<20480x3xf32, #tpu.memory_space<vmem>>, vector<20480x3xf32>
    %get3A_2 = arith.constant 0 : index
    %get3A_3 = arith.constant 0 : index
    %get3A_4 = arith.constant 0 : index
    %get3A_5 = vector.load %arg3[%get3A_2, %get3A_3, %get3A_4] : memref<1x1024x3xf32, #tpu.memory_space<vmem>>, vector<1x1024x3xf32>
    %get3A_6 = vector.shape_cast %get3A_5 : vector<1x1024x3xf32> to vector<1024x3xf32>
    %get3A_7 = arith.constant 3 : index
    %get3A_8 = arith.constant 0 : index
    %get3A_9 = vector.load %arg4[%get3A_7, %get3A_8] : memref<6x64xf32, #tpu.memory_space<vmem>>, vector<3x64xf32>
    %dot_general3A = arith.constant dense<0.000000e+00> : vector<1024x64xf32>
    %dot_general3A_10 = tpu.matmul %get3A_6, %get3A_9, %dot_general3A {dimension_numbers = #tpu.dot_dimension_numbers<[1], [0], [0], [1], [0, 0, 1, 1], [], []>, transpose_lhs_hint = false} : vector<1024x3xf32>, vector<3x64xf32>, vector<1024x64xf32> -> vector<1024x64xf32>
    %get3A_11 = arith.constant 0 : index
    %get3A_12 = arith.constant 0 : index
    %get3A_13 = vector.load %arg5[%get3A_11, %get3A_12] : memref<1x64xf32, #tpu.memory_space<vmem>>, vector<1x64xf32>
    %add3A = vector.broadcast %get3A_13 : vector<1x64xf32> to vector<1024x64xf32>
    %add3A_14 = arith.addf %dot_general3A_10, %add3A : vector<1024x64xf32>
    %broadcast_in_dim3A = vector.shape_cast %get3A_6 : vector<1024x3xf32> to vector<1024x1x3xf32>
    %broadcast_in_dim3A_15 = vector.shape_cast %broadcast_in_dim3A : vector<1024x1x3xf32> to vector<1024x1x3xf32>
    %broadcast_in_dim3A_16 = vector.broadcast %broadcast_in_dim3A_15 : vector<1024x1x3xf32> to vector<1024x20x3xf32>
    %reshape3A = vector.shape_cast %broadcast_in_dim3A_16 : vector<1024x20x3xf32> to vector<20480x3xf32>
    %broadcast_in_dim3A_17 = vector.shape_cast %add3A_14 : vector<1024x64xf32> to vector<1024x1x64xf32>
    %broadcast_in_dim3A_18 = vector.shape_cast %broadcast_in_dim3A_17 : vector<1024x1x64xf32> to vector<1024x1x64xf32>
    %broadcast_in_dim3A_19 = vector.broadcast %broadcast_in_dim3A_18 : vector<1024x1x64xf32> to vector<1024x20x64xf32>
    %reshape3A_20 = vector.shape_cast %broadcast_in_dim3A_19 : vector<1024x20x64xf32> to vector<20480x64xf32>
    %sub3A = arith.subf %get3A_1, %reshape3A : vector<20480x3xf32>
    %get3A_21 = arith.constant 0 : index
    %get3A_22 = arith.constant 0 : index
    %get3A_23 = vector.load %arg4[%get3A_21, %get3A_22] : memref<6x64xf32, #tpu.memory_space<vmem>>, vector<3x64xf32>
    %dot_general3A_24 = arith.constant dense<0.000000e+00> : vector<20480x64xf32>
    %dot_general3A_25 = tpu.matmul %sub3A, %get3A_23, %dot_general3A_24 {dimension_numbers = #tpu.dot_dimension_numbers<[1], [0], [0], [1], [0, 0, 1, 1], [], []>, transpose_lhs_hint = false} : vector<20480x3xf32>, vector<3x64xf32>, vector<20480x64xf32> -> vector<20480x64xf32>
    %add3A_26 = arith.addf %dot_general3A_25, %reshape3A_20 : vector<20480x64xf32>
    %max3A = arith.constant 0.000000e+00 : f32
    %max3A_27 = vector.broadcast %max3A : f32 to vector<20480x64xf32>
    %max3A_28 = arith.maximumf %add3A_26, %max3A_27 : vector<20480x64xf32>
    %get3A_29 = arith.constant 0 : index
    %get3A_30 = arith.constant 0 : index
    %get3A_31 = vector.load %arg6[%get3A_29, %get3A_30] : memref<64x64xf32, #tpu.memory_space<vmem>>, vector<64x64xf32>
    %dot_general3A_32 = arith.constant dense<0.000000e+00> : vector<20480x64xf32>
    %dot_general3A_33 = tpu.matmul %max3A_28, %get3A_31, %dot_general3A_32 {dimension_numbers = #tpu.dot_dimension_numbers<[1], [0], [0], [1], [0, 0, 1, 1], [], []>, transpose_lhs_hint = false} : vector<20480x64xf32>, vector<64x64xf32>, vector<20480x64xf32> -> vector<20480x64xf32>
    %get3A_34 = arith.constant 0 : index
    %get3A_35 = arith.constant 0 : index
    %get3A_36 = vector.load %arg7[%get3A_34, %get3A_35] : memref<1x64xf32, #tpu.memory_space<vmem>>, vector<1x64xf32>
    %add3A_37 = vector.broadcast %get3A_36 : vector<1x64xf32> to vector<20480x64xf32>
    %add3A_38 = arith.addf %dot_general3A_33, %add3A_37 : vector<20480x64xf32>
    %max3A_39 = arith.constant 0.000000e+00 : f32
    %max3A_40 = vector.broadcast %max3A_39 : f32 to vector<20480x64xf32>
    %max3A_41 = arith.maximumf %add3A_38, %max3A_40 : vector<20480x64xf32>
    %reshape3A_42 = vector.shape_cast %max3A_41 : vector<20480x64xf32> to vector<1024x20x64xf32>
    %reduce_max3A = arith.constant dense<0xFF800000> : vector<1024x64xf32>
    %reduce_max3A_43 = vector.multi_reduction <maximumf>, %reshape3A_42, %reduce_max3A [1] : vector<1024x20x64xf32> to vector<1024x64xf32>
    %swap3A = arith.constant 0 : index
    %swap3A_44 = arith.constant 0 : index
    %swap3A_45 = arith.constant 0 : index
    %swap3A_46 = vector.load %arg8[%swap3A, %swap3A_44, %swap3A_45] : memref<1x1024x64xf32, #tpu.memory_space<vmem>>, vector<1x1024x64xf32>
    %swap3A_47 = vector.shape_cast %swap3A_46 : vector<1x1024x64xf32> to vector<1024x64xf32>
    %swap3A_48 = vector.shape_cast %reduce_max3A_43 : vector<1024x64xf32> to vector<1x1024x64xf32>
    tpu.vector_store %arg8[%swap3A, %swap3A_44, %swap3A_45], %swap3A_48 {strides = array<i32>} : memref<1x1024x64xf32, #tpu.memory_space<vmem>>, vector<1x1024x64xf32>,
    return
  }
  func.func @transform_0(%arg0: i32, %arg1: i32) -> (i32, i32) {
    %mul3A = arith.constant 2 : i32
    %mul3A_0 = arith.muli %arg0, %mul3A : i32
    %add3A = arith.addi %mul3A_0, %arg1 : i32
    %c0_i32 = arith.constant 0 : i32
    %c0_i32_1 = arith.constant 0 : i32
    return %add3A, %c0_i32 : i32, i32
  }
  func.func @transform_1(%arg0: i32, %arg1: i32) -> (i32, i32, i32) {
    %c0_i32 = arith.constant 0 : i32
    %c0_i32_0 = arith.constant 0 : i32
    return %arg0, %arg1, %c0_i32 : i32, i32, i32
  }
  func.func @transform_2(%arg0: i32, %arg1: i32) -> (i32, i32) {
    %c0_i32 = arith.constant 0 : i32
    %c0_i32_0 = arith.constant 0 : i32
    %c0_i32_1 = arith.constant 0 : i32
    return %c0_i32, %c0_i32_0 : i32, i32
  }
  func.func @transform_3(%arg0: i32, %arg1: i32) -> (i32, i32) {
    %c0_i32 = arith.constant 0 : i32
    %c0_i32_0 = arith.constant 0 : i32
    %c0_i32_1 = arith.constant 0 : i32
    return %c0_i32, %c0_i32_0 : i32, i32
  }
  func.func @transform_4(%arg0: i32, %arg1: i32) -> (i32, i32) {
    %c0_i32 = arith.constant 0 : i32
    %c0_i32_0 = arith.constant 0 : i32
    %c0_i32_1 = arith.constant 0 : i32
    return %c0_i32, %c0_i32_0 : i32, i32
  }
  func.func @transform_5(%arg0: i32, %arg1: i32) -> (i32, i32) {
    %c0_i32 = arith.constant 0 : i32
    %c0_i32_0 = arith.constant 0 : i32
    %c0_i32_1 = arith.constant 0 : i32
    return %c0_i32, %c0_i32_0 : i32, i32
  }
  func.func @transform_6(%arg0: i32, %arg1: i32) -> (i32, i32, i32) {
    %c0_i32 = arith.constant 0 : i32
    %c0_i32_0 = arith.constant 0 : i32
    return %arg0, %arg1, %c0_i32 : i32, i32, i32
  }
}

</mosaic_0001>

<sc_bundles>
// kernel: kernel.5.cloned.1.call-start
scs
__scs_entry_jumppad:
0x0: {  	(pc) =	sbr.rel $0x88, $3  }
0x1: {  	(tag) =	ssettag $0x0;
	lr =	simm.s32 $0x1  }
0x2: {  	[smem:$0x3F9C] =	sst lr;
	_ =	strace $0xD0000000  }
0x3: {  	_ = 	snop  }
0x4: {  	_ = 	snop  }
0x5: {  	_ = 	snop  }
0x6: {  	_ = 	snop  }
0x7: {  	_ = 	snop  }
__scs_overlays_trampoline_lowered:
0x8: {  	[smem:$0x3FAB] =	sst s0  }
0x9: {  	[smem:$0x3FAC] =	sst s1  }
0xa: {  	[smem:$0x3FAD] =	sst s2  }
0xb: {  	[smem:$0x3FAE] =	sst s3  }
0xc: {  	[smem:$0x3FAF] =	sst s4  }
0xd: {  	[smem:$0x3FB0] =	sst s5  }
0xe: {  	[smem:$0x3FB1] =	sst s6  }
0xf: {  	[smem:$0x3FB2] =	sst s7  }
0x10: {  	[smem:$0x3FB3] =	sst s8  }
0x11: {  	[smem:$0x3FB4] =	sst s9;
	s0 =	simm.s32 @!p0 $0x0  }
0x12: {  	s1 =	sld [smem:$0x3F9A];
	s0 =	simm.s32 @p0 $0x1  }
0x13: {  	[smem:$0x3FB5] =	sst s0;
	s0 =	simm.s32 @!p1 $0x0  }
0x14: {  	s2 =	sld [smem:$0x3F99];
	s0 =	simm.s32 @p1 $0x1  }
0x15: {  	[smem:$0x3FB6] =	sst s0;
	s0 =	simm.s32 @!p2 $0x0  }
0x16: {  	s3 =	sld [smem:$0x3FDB];
	s0 =	simm.s32 @p2 $0x1  }
0x17: {  	s4 =	simm.s32 $0x1BF5;
	[smem:$0x3FB8] =	sst s0  }
0x18: {  	s0 =	sld [smem:$0x3F9B];
	_ =	swait.ge [sflag:s4], $0x0  }
0x19: {  	s7 =	sld [smem:$0x3F9C]  }
0x1a: {  	s8 =	sadd.s32 $0xFFFFE003, lr  }
0x1b: {  	s9 =	sadd.s32 $0xFFFFFEF7, lr;
	s5 =	simm.s32 $0xFFFFFFFF;
	p2 =	slt.u32 s8, $0xFFFFF086  }
0x1c: {  	p1 =	slt.u32 s9, $0xF7A;
	s5 =	simm.s32 @!p2 $0x0  }
0x1d: {  	s5 =	simm.s32 @p1 $0x1;
	p0 =	seq.s32 s7, s2  }
0x1e: {  	s7 =	smul.u32 @!p0 $0xF7A, s2;
	p2 =	seq.s32 @!p0 s5, $0x0  }
0x1f: {  	s9 =	smul.u32 $0xF7A, s1;
	s8 =	simm.s32 @!p0 $0x1BF5;
	p2 =	por !p2, p0  }
0x20: {  	[sflag:s8] =	ssyncset.s32 @!p0 $0xFFFFF086;
	s6 =	sadd.s32 @!p0 s3, s7;
	s7 =	simm.s32 @!p0 $0x108  }
0x21: {  	s3 =	sadd.s32 s3, s9;
	s6 =	sadd.s32 @!p0 $0x88, s6;
	s7 =	simm.s32 @p2 $0x1082  }
0x22: {  	[simem:s7], [sflag:s8] =	dma.local @!p0 [hbm:s6], $0xF7A  }
0x23: {  	s9 =	sor.u32 $0xD0000000, s2;
	s6 =	simm.s32 $0x108;
	_ =	swait.ge @!p0 [sflag:s8], $0x0  }
0x24: {  	s3 =	sadd.s32 $0x88, s3;
	s6 =	simm.s32 @!p1 $0x1082;
	[sflag:s4] =	ssyncset.s32 $0xFFFFF086  }
0x25: {  	[simem:s6], [sflag:s4] =	dma.local [hbm:s3], $0xF7A  }
0x26: {  	[smem:$0x3F9C] =	sst s1;
	(tag) =	ssettag s2;
	_ =	strace s9  }
0x27: {  	s1 =	sld [smem:$0x3FAC]  }
0x28: {  	s2 =	sld [smem:$0x3FAD]  }
0x29: {  	s4 =	sld [smem:$0x3FAF]  }
0x2a: {  	p0 =	seq.s32 s5, $0x0;
	s5 =	sld [smem:$0x3FB0]  }
0x2b: {  	s6 =	sld [smem:$0x3FB1]  }
0x2c: {  	s7 =	sld [smem:$0x3FB2]  }
0x2d: {  	s3 =	simm.s32 $0x108;
	s8 =	sld [smem:$0x3FB3]  }
0x2e: {  	s3 =	simm.s32 @!p0 $0x1082;
	s9 =	sld [smem:$0x3FB4]  }
0x2f: {  	lr =	sadd.s32 s0, s3;
	s0 =	sld [smem:$0x3FAB]  }
0x30: {  	s3 =	sld [smem:$0x3FAE]  }
0x31: {  	[smem:$0x3FB7] =	sst s10  }
0x32: {  	s10 =	sld [smem:$0x3FB5];
	_ =	sdelay $0x3  }
0x33: {  	p0 =	seq.s32 s10, $0x1;
	s10 =	sld [smem:$0x3FB7];
	_ =	sdelay $0x3  }
0x34: {  	[smem:$0x3FB7] =	sst s10  }
0x35: {  	s10 =	sld [smem:$0x3FB6];
	_ =	sdelay $0x3  }
0x36: {  	p1 =	seq.s32 s10, $0x1;
	s10 =	sld [smem:$0x3FB7];
	_ =	sdelay $0x3  }
0x37: {  	[smem:$0x3FB7] =	sst s10  }
0x38: {  	s10 =	sld [smem:$0x3FB8]  }
0x39: {  	_ = 	snop;
	(pc) =	sbr.ind lr, $3  }
0x3a: {  	_ = 	snop  }
0x3b: {  	_ = 	snop  }
0x3c: {  	p2 =	seq.s32 s10, $0x1;
	s10 =	sld [smem:$0x3FB7]  }
0x3d: {  	_ =	shalt  }
0x3e: {  	_ =	shalt  }
0x3f: {  	_ =	shalt  }
0x40: {  	_ =	shalt  }
0x41: {  	_ =	shalt  }
0x42: {  	_ =	shalt  }
0x43: {  	_ =	shalt  }
0x44: {  	_ =	shalt  }
0x45: {  	_ =	shalt  }
0x46: {  	_ =	shalt  }
0x47: {  	_ =	shalt  }
0x48: {  	_ =	shalt  }
0x49: {  	_ =	shalt  }
0x4a: {  	_ =	shalt  }
0x4b: {  	_ =	shalt  }
0x4c: {  	_ =	shalt  }
0x4d: {  	_ =	shalt  }
0x4e: {  	_ =	shalt  }
0x4f: {  	_ =	shalt  }
0x50: {  	_ =	shalt  }
0x51: {  	_ =	shalt  }
0x52: {  	_ =	shalt  }
0x53: {  	_ =	shalt  }
0x54: {  	_ =	shalt  }
0x55: {  	_ =	shalt  }
0x56: {  	_ =	shalt  }
0x57: {  	_ =	shalt  }
0x58: {  	_ =	shalt  }
0x59: {  	_ =	shalt  }
0x5a: {  	_ =	shalt  }
0x5b: {  	_ =	shalt  }
0x5c: {  	_ =	shalt  }
0x5d: {  	_ =	shalt  }
0x5e: {  	_ =	shalt  }
0x5f: {  	_ =	shalt  }
0x60: {  	_ =	shalt  }
0x61: {  	_ =	shalt  }
0x62: {  	_ =	shalt  }
0x63: {  	_ =	shalt  }
0x64: {  	_ =	shalt  }
0x65: {  	_ =	shalt  }
0x66: {  	_ =	shalt  }
0x67: {  	_ =	shalt  }
0x68: {  	_ =	shalt  }
0x69: {  	_ =	shalt  }
0x6a: {  	_ =	shalt  }
0x6b: {  	_ =	shalt  }
0x6c: {  	_ =	shalt  }
0x6d: {  	_ =	shalt  }
0x6e: {  	_ =	shalt  }
0x6f: {  	_ =	shalt  }
0x70: {  	_ =	shalt  }
0x71: {  	_ =	shalt  }
0x72: {  	_ =	shalt  }
0x73: {  	_ =	shalt  }
0x74: {  	_ =	shalt  }
0x75: {  	_ =	shalt  }
0x76: {  	_ =	shalt  }
0x77: {  	_ =	shalt  }
0x78: {  	_ =	shalt  }
0x79: {  	_ =	shalt  }
0x7a: {  	_ =	shalt  }
0x7b: {  	_ =	shalt  }
0x7c: {  	_ =	shalt  }
0x7d: {  	_ =	shalt  }
0x7e: {  	_ =	shalt  }
0x7f: {  	_ =	shalt  }
0x80: {  	_ =	shalt  }
0x81: {  	_ =	shalt  }
0x82: {  	_ =	shalt  }
0x83: {  	_ =	shalt  }
0x84: {  	_ =	shalt  }
0x85: {  	_ =	shalt  }
0x86: {  	_ =	shalt  }
0x87: {  	_ =	shalt  }
.Lfunc_end0:
.L_simem_size_0:
called_computation_lowered:
.L_overlay_start_0:
0x88: {  	s2 =	sld [smem:$0x3FD9]  }
0x89: {  	s3 =	sld [smem:$0x3FFE];
	_ =	sdelay $0x1  }
0x8a: {  	s1 =	srdreg.scid  }
0x8b: {  	s0 =	sand.u32 $0x1, s1  }
0x8c: {  	s17 =	sshll.u32 s0, $0xA;
	s2 =	sadd.s32 s3, s2  }
0x8d: {  	s2 =	sadd.s32 s2, s17  }
0x8e: {  	[smem:$0x3FC3] =	sst s2  }
0x8f: {  	_ = 	snop  }
0x90: {  	s2 =	sld [smem:$0x3FD0];
	(tm) =	ssettm $0x1  }
0x91: {  	s18 =	sld [smem:$0x3FFB];
	_ =	sdelay $0x3  }
0x92: {  	_ =	strace s18  }
0x93: {  	s3 =	sld [smem:$0x3FFC];
	_ =	sdelay $0x3  }
0x94: {  	_ =	strace s3  }
0x95: {  	s3 =	sld [smem:$0x3FFD];
	_ =	sdelay $0x3  }
0x96: {  	_ =	strace s3  }
0x97: {  	_ =	strace $0x8FFFFFFF  }
0x98: {  	s19 =	sld [smem:$0x3FDB];
	_ =	sdelay $0x1  }
0x99: {  	s4 =	simm.s32 $_scs_section_size  }
0x9a: {  	s5 =	simm.s32 $_size__tile_overlayer_lowered;
	s6 =	simm.s32 $_tile_overlayer_lowered  }
0x9b: {  	s22 =	simm.s32 $0x1BFF;
	s21 =	sshll.u32 s6, $0x1;
	s3 =	sadd.s32 s4, s19  }
0x9c: {  	s7 =	simm.s32 $0x0;
	s20 =	sshll.u32 s5, $0x1;
	s5 =	sadd.s32 s21, s3  }
0x9d: {  	[timem:s7], [sflag:s22] =	dma.local [hbm:s5], s20  }
0x9e: {  	_ =	swait.ge [sflag:s22], s20  }
0x9f: {  	s4 =	ssub.s32 $0x0, s20;
	[sflag:s22] =	ssyncset.done $0x0  }
0xa0: {  	[sflag:s22] =	ssyncadd.s32 s4;
	_ =	sdelay $0x1  }
0xa1: {  	s23 =	simm.s32 $0x1B8B  }
0xa2: {  	_ =	swait.ge [sflag:s23], $0x1  }
0xa3: {  	[sflag:s23] =	ssyncset.done $0x0  }
0xa4: {  	s25 =	simm.s32 $0x1B8E;
	s24 =	sld [smem:$0x3FFE];
	[sflag:s23] =	ssyncadd.s32 $0xFFFFFFFF  }
0xa5: {  	s26 =	simm.s32 $execute0_lowered;
	[smem:$0x3FD2] =	sst s25  }
0xa6: {  	s5 =	sshll.u32 s26, $0x1;
	_ =	strace $0x80000046;
	[dreg:$0x1] =	wrdreg $0xFFFFFFFF  }
0xa7: {  	s28 =	simm.s32 $_size_execute0_lowered;
	s3 =	sadd.s32 s3, s5;
	[dreg:$0x0] =	wrdreg $0x0  }
0xa8: {  	s5 =	sshll.u32 s28, $0x1;
	[dreg:$0x2] =	wrdreg s3  }
0xa9: {  	[dreg:$0x3] =	wrdreg s5  }
0xaa: {  	[dreg:$0x4] =	wrdreg $0xC0  }
0xab: {  	_ =	task [dreg:s7], $0x5FFFF  }
0xac: {  	[dreg:$0x1] =	wrdreg $0xFFFFFFFF  }
0xad: {  	[dreg:$0x0] =	wrdreg $0x60  }
0xae: {  	[dreg:$0x2] =	wrdreg s24  }
0xaf: {  	[dreg:$0x3] =	wrdreg s2  }
0xb0: {  	[dreg:$0x4] =	wrdreg $0x9  }
0xb1: {  	_ =	task.clear_ibuf [dreg:s7], $0x5FFFF;
	_ =	strace $0x90000046  }
0xb2: {  	s29 =	simm.s32 $0x9;
	_ =	strace $0x80000048  }
0xb3: {  	_ =	swait.ge [sflag:s29], $0x1  }
0xb4: {  	[sflag:s29] =	ssyncadd.s32 $0xFFFFFFFF  }
0xb5: {  	_ =	strace $0x90000048  }
0xb6: {  	_ =	sfence  }
0xb7: {  	s30 =	sld [smem:$0x0];
	_ =	sdelay $0x2  }
0xb8: {  	s31 =	sshll.u32 s1, $0xD;
	s1 =	sshrl.u32 s1, $0x2  }
0xb9: {  	s3 =	sand.u32 $0x4000, s31;
	s1 =	sadd.s32 s1, s30  }
0xba: {  	s0 =	sor.u32 s3, s0;
	s1 =	sshll.u32 s1, $0x11  }
0xbb: {  	s0 =	sor.u32 s1, s0  }
0xbc: {  	s0 =	sadd.s32 $0x8F2B, s0  }
0xbd: {  	[sflag:s0] =	ssyncadd.remote.s32 $0x1  }
0xbe: {  	_ =	sfence.sel $0xFFFF  }
0xbf: {  	[dreg:$0x0] =	wrdreg $0xFFFFFFFF;
	(pc) =	sbr.abs _section_cstart, $3  }
0xc0: {  	[dreg:$0x1] =	wrdreg $0xFFFFFFFF  }
0xc1: {  	_ =	task.clear_ibuf [dreg:s7], $0x2FFFF;
	_ =	strace $0x9FFFFFFF  }
0xc2: {  	(tm) =	ssettm $0x7FFFFFFF  }
0xc3: {  	_ =	shalt  }
tec
execute0_lowered:
.L_overlay_start_1:
0x0: {  	(tag) =	ssettag $0x1  }
0x1: {  	s4 =	rddreg [dreg:$0x0]  }
0x2: {  	s1 =	srdreg.scid;
	s0 =	stileid.u32  }
0x3: {  	s5 =	rddreg [dreg:$0x1];
	s3 =	sand.u32 $0x1, s1;
	s6 =	sshll.u32 s0, $0x1  }
0x4: {  	s2 =	simm.s32 $0x0;
	s1 =	rddreg [dreg:$0x2];
	s6 =	sor.u32 s3, s6  }
0x5: {  	[smem:$0x7FF] =	sst s2;
	s8 =	ssub.s32 $0x2, s3;
	s7 =	smul.u32 $0x500, s6  }
0x6: {  	v0 =	vlaneseq.u32;
	_ =	strace $0x80000047;
	s9 =	sshrl.u32 s8, $0x1;
	s6 =	smul.u32 $0xF00, s6  }
0x7: {  	v0 =	vmul.u32 $0x3, v0;
	s3 =	sadd.s32 $0xC00, s4;
	s31 =	ssub.s32 s8, s9;
	s8 =	simm.s32 $0xE800  }
0x8: {  	s9 =	simm.s32 $0x0;
	s4 =	sadd.s32 s7, s4;
	s5 =	sadd.s32 s5, s6  }
0x9: {  	v1 =	vadd.s32 $0x1, v0;
	v2 =	vadd.s32 $0x2, v0;
	s6 =	smax.u32 s31, $0x1;
	s7 =	simm.s32 $0x1;
	s4 =	sadd.s32 $0x2400, s4  }
.LBB2_1:
0xa: {  	[tilespmem:s2], [sflag:$0x1] =	stream.linear.gather [hbm4b:s3+s2], $0xC000, $0x38;
	[tilespmem:$0x16000] =	vst v63  }
0xb: {  	_ =	swait.ge [sflag:s7], $0xC000  }
0xc: {  	[sflag:s7] =	ssyncset.done $0x0  }
0xd: {  	s10 =	simm.s32 $0xC000;
	[sflag:s7] =	ssyncadd.s32 $0xFFFF4000  }
0xe: {  	[tilespmem:s10], [sflag:$0x1] =	stream.linear.gather [hbm4b:s4+s2], $0x2800, $0x38;
	[tilespmem:$0x16000] =	vst v63  }
0xf: {  	_ =	swait.ge [sflag:s7], $0x2800  }
0x10: {  	[sflag:s7] =	ssyncset.done $0x0  }
0x11: {  	[sflag:s7] =	ssyncadd.s32 $0xFFFFD800  }
0x12: {  	v3 =	vld [tilespmem:s10+$0x0];
	_ =	sdelay $0x4  }
0x13: {  	v3 =	vmul.u32 $0x3, v3;
	_ =	sdelay $0x5  }
0x14: {  	v5 =	vadd.s32 s2, v0;
	v4 =	vld.idx.msk [tilespmem:v3+s2+$0x0], $0xffff  }
0x15: {  	v6 =	vadd.s32 $0x1, v3;
	_ =	sdelay $0x3  }
0x16: {  	[tilespmem:v5+s8+$0x0] =	vst.idx.msk $0xffff, v4  }
0x17: {  	v5 =	vadd.s32 s2, v1;
	v4 =	vld.idx.msk [tilespmem:v6+s2+$0x0], $0xffff  }
0x18: {  	v3 =	vadd.s32 $0x2, v3;
	_ =	sdelay $0x3  }
0x19: {  	[tilespmem:v5+s8+$0x0] =	vst.idx.msk $0xffff, v4  }
0x1a: {  	s11 =	simm.s32 $0x30;
	v4 =	vadd.s32 s2, v2;
	v3 =	vld.idx.msk [tilespmem:v3+s2+$0x0], $0xffff  }
.LBB2_2:
0x1b: {  	_ =	sdelay $0x2  }
0x1c: {  	p0 =	sne.s32 s11, $0x77D0  }
0x1d: {  	s10 =	sadd.s32 $0x10, s10;
	s12 =	smov.u32 s11;
	s11 =	sadd.s32 $0x30, s11;
	[tilespmem:v4+s8+$0x0] =	vst.idx.msk $0xffff, v3  }
0x1e: {  	v3 =	vld [tilespmem:s10+$0x0];
	_ =	sdelay $0x4  }
0x1f: {  	v3 =	vmul.u32 $0x3, v3;
	_ =	sdelay $0x5  }
0x20: {  	v4 =	vld.idx.msk [tilespmem:v3+s2+$0x0], $0xffff  }
0x21: {  	v5 =	vadd.s32 s12, v0  }
0x22: {  	v6 =	vadd.s32 $0x1, v3;
	_ =	sdelay $0x3  }
0x23: {  	[tilespmem:v5+s8+$0x0] =	vst.idx.msk $0xffff, v4  }
0x24: {  	v4 =	vld.idx.msk [tilespmem:v6+s2+$0x0], $0xffff  }
0x25: {  	v5 =	vadd.s32 s12, v1  }
0x26: {  	v3 =	vadd.s32 $0x2, v3;
	_ =	sdelay $0x1  }
.Ltmp0:
0x27: {  	(pc) =	sbr.rel @p0 .LBB2_2-.Ltmp0, $4  }
0x28: {  	_ = 	snop  }
0x29: {  	[tilespmem:v5+s8+$0x0] =	vst.idx.msk $0xffff, v4  }
0x2a: {  	v3 =	vld.idx.msk [tilespmem:v3+s2+$0x0], $0xffff  }
0x2b: {  	v4 =	vadd.s32 s12, v2  }
0x2c: {  	_ =	sdelay $0x1  }
0x2d: {  	s9 =	sadd.s32 $0x1, s9  }
0x2e: {  	p0 =	sne.s32 s9, s6  }
.Ltmp1:
0x2f: {  	[tilespmem:v4+s8+$0x0] =	vst.idx.msk $0xffff, v3;
	(pc) =	sbr.rel @p0 .LBB2_1-.Ltmp1, $4  }
0x30: {  	[hbm4b:s5+s2] =	stream.linear.scatter [tilespmem:s8], [sflag:$0x1], $0x7800, $0x38;
	[tilespmem:$0x16000] =	vst v63  }
0x31: {  	_ =	swait.ge [sflag:s7], $0x7800  }
0x32: {  	[sflag:s7] =	ssyncset.done $0x0  }
0x33: {  	[sflag:s7] =	ssyncadd.s32 $0xFFFF8800  }
0x34: {  	_ =	sfence.sel $0x180000  }
0x35: {  	[bflag:$0x0] =	sbarrier.arrive $0xFFFF  }
0x36: {  	p0 =	sne.s32 s0, $0x0;
	_ =	strace $0x90000047  }
0x37: {  	s0 =	sadd.s32 @!p0 $0x100000, s1;
	[bflag:$0x2] =	sbarrier.arrive $0xFFFF  }
0x38: {  	[sflag:s0] =	ssyncadd.tile.s32 @!p0 $0x1;
	_ =	shalt  }
.Lfunc_end2:
_tile_overlayer_lowered:
.L_overlay_start_2:
0x39: {  	(tag) =	ssettag $0x2  }
0x3a: {  	s0 =	rddreg [dreg:$0x0];
	s2 =	stileid.u32  }
0x3b: {  	s1 =	rddreg [dreg:$0x1];
	p0 =	sne.s32 s2, $0x0  }
0x3c: {  	s3 =	rddreg [dreg:$0x2];
	[bflag:$0x3] =	sbarrier.arrive $0xFFFF;
	s2 =	simm.s32 @!p0 $0x1C01  }
0x3d: {  	[timem:s3], [sflag:s2] =	dma.local @!p0 [hbm:s0], s1  }
0x3e: {  	s0 =	simm.s32 @!p0 $0x1  }
0x3f: {  	_ =	swait.ge @!p0 [sflag:s0], s1  }
0x40: {  	s1 =	ssub.s32 @!p0 $0x0, s1;
	[sflag:s0] =	ssyncset.done @!p0 $0x0  }
0x41: {  	[sflag:s0] =	ssyncadd.s32 @!p0 s1  }
0x42: {  	[bflag:$0x3] =	sbarrier.arrive $0xFFFF  }
0x43: {  	_ =	shalt  }

</sc_bundles>
